<compile_context>
chip_gen: v7x
topology: tpu7x:2x2x1
jax: 0.10.2.dev20260603
libtpu: 0.0.44.dev20260713+nightly
codegen_flags: <defaults>
</compile_context>

<pallas_src>
import functools

import jax
import jax.numpy as jnp
from jax.experimental import pallas as pl
from jax.experimental.pallas import tpu as pltpu
from jax.experimental.pallas import tpu_sc as plsc


@functools.lru_cache(maxsize=None)
def _make_pooler(B, S, H, I):
    R = B * I
    mesh = plsc.ScalarSubcoreMesh(axis_name="c", num_cores=1)

    @functools.partial(
        pl.kernel,
        mesh=mesh,
        out_type=jax.ShapeDtypeStruct((R, H), jnp.float32),
        scratch_types=[
            pltpu.SMEM((R,), jnp.int32),
            pltpu.SemaphoreType.DMA,
        ],
    )
    def pooler(hs_hbm, idx_hbm, miss_hbm, out_hbm, idx_s, sem):
        pltpu.sync_copy(idx_hbm, idx_s)
        for k in range(R):
            i = idx_s[k]

            @pl.when(i >= 0)
            def _():
                flat = (k // I) * S + jnp.minimum(i, S - 1)
                pltpu.make_async_copy(hs_hbm.at[pl.ds(flat, 1)],
                                      out_hbm.at[pl.ds(k, 1)], sem).start()

            @pl.when(i < 0)
            def _():
                pltpu.make_async_copy(miss_hbm.at[pl.ds(k % I, 1)],
                                      out_hbm.at[pl.ds(k, 1)], sem).start()

        pltpu.make_async_copy(hs_hbm.at[pl.ds(0, R)], out_hbm, sem).wait()

    return pooler


def kernel(hidden_state, indices, missing_embeddings):
    b, s, h = hidden_state.shape
    n = indices.shape[1]
    hs_flat = hidden_state.reshape(b * s, h)
    idx_flat = indices.reshape(-1).astype(jnp.int32)
    rows = _make_pooler(b, s, h, n)(hs_flat, idx_flat, missing_embeddings)
    return rows.reshape(b, n * h)

# --- scband reference (transcript-rebuilt; emitter-appended) ---
"""Pipeline reference for scband-at-index-pooler-24515673325653 (READ-ONLY COPY).

The authoritative reference and input builder live on the scoring server;
editing this copy changes nothing except your own understanding.
"""

import jax, jax.numpy as jnp
import numpy as np

B, S, H = 4, 8192, 1024
NUM_INDICES = 2
OFFSET = 0


def setup_inputs(seed: int = 0) -> dict:
    key = jax.random.key(seed)
    k1, k2, k3 = jax.random.split(key, 3)
    hidden_state = jax.random.normal(k1, (B, S, H), dtype=jnp.float32)
    indices = jax.random.randint(k2, (B, NUM_INDICES), 0, S, dtype=jnp.int64) if jax.config.jax_enable_x64 else jax.random.randint(k2, (B, NUM_INDICES), 0, S, dtype=jnp.int32)
    missing_embeddings = jax.random.normal(k3, (NUM_INDICES, H), dtype=jnp.float32)
    return {"hidden_state": hidden_state, "indices": indices, "missing_embeddings": missing_embeddings}


def reference(hidden_state, indices, missing_embeddings):
    b, s, h = hidden_state.shape
    num_indices = indices.shape[1]
    # gather hidden_state[batch, idx + offset, :] for each index slot
    idx = indices + OFFSET  # [B, I]
    safe_idx = jnp.clip(idx, 0, s - 1)
    gathered = jnp.take_along_axis(hidden_state, safe_idx[:, :, None], axis=1)  # [B, I, H]
    missing = jnp.broadcast_to(missing_embeddings[None, :, :], (b, num_indices, h))
    # condition on raw index (pre-offset) >= 0, matching the torch module
    sel = jnp.where((indices >= 0)[:, :, None], gathered, missing)  # [B, I, H]
    result = sel.reshape(b, num_indices * h)
    return result

if __name__ == "__main__":
    import jax
    _d = setup_inputs()
    print(jax.jit(kernel)(*tuple(_d.values())))

</pallas_src>

<mosaic_0001>
#map = affine_map<(d0) -> (0, 0)>
#map1 = affine_map<(d0) -> (0)>
module attributes {stable_mosaic.version = 14 : i64} {
  func.func @pooler(%arg0: i32, %arg1: memref<32768x1024xf32, #tpu.memory_space<hbm>>, %arg2: memref<8xi32, #tpu.memory_space<hbm>>, %arg3: memref<2x1024xf32, #tpu.memory_space<hbm>>, %arg4: memref<8x1024xf32, #tpu.memory_space<hbm>>, %arg5: memref<8xi32, #tpu.memory_space<smem>>, %arg6: memref<!tpu.dma_semaphore, #tpu.memory_space<semaphore_mem>>) attributes {dimension_semantics = [#tpu.dimension_semantics<core_parallel>], iteration_bounds = array<i64: 1>, scalar_prefetch = 0 : i64, scratch_operands = 2 : i64, tpu.core_type = #tpu.core_type<sc_scalar_subcore>, window_params = [{transform_indices = #map}, {transform_indices = #map1}, {transform_indices = #map}, {transform_indices = #map}]} {
    "tpu.region"() ({
      %run_scoped3A = tpu.sem_alloc : memref<!tpu.dma_semaphore, #tpu.memory_space<semaphore_mem>>
      tpu.enqueue_dma source(%arg2 : memref<8xi32, #tpu.memory_space<hbm>>) target(%arg5 : memref<8xi32, #tpu.memory_space<smem>>) target_semaphore(%run_scoped3A : memref<!tpu.dma_semaphore, #tpu.memory_space<semaphore_mem>>)
      tpu.wait_dma2 semaphore(%run_scoped3A : memref<!tpu.dma_semaphore, #tpu.memory_space<semaphore_mem>>) src(%arg2 : memref<8xi32, #tpu.memory_space<hbm>>) dst(%arg5 : memref<8xi32, #tpu.memory_space<smem>>)
      tpu.yield
    }) : () -> ()
    %get3A = arith.constant 0 : i32
    %get3A_0 = arith.index_cast %get3A : i32 to index
    %get3A_1 = memref.load %arg5[%get3A_0] : memref<8xi32, #tpu.memory_space<smem>>
    %ge3A = arith.constant 0 : i32
    %ge3A_2 = arith.cmpi sge, %get3A_1, %ge3A : i32
    %convert_element_type3A = arith.extui %ge3A_2 : i1 to i32
    %cond3A = arith.constant 0 : i32
    %cond3A_3 = arith.cmpi ne, %convert_element_type3A, %cond3A : i32
    scf.if %cond3A_3 {
      %min3A = arith.constant 8191 : i32
      %min3A_101 = arith.minsi %get3A_1, %min3A : i32
      %add3A = arith.constant 0 : i32
      %add3A_102 = arith.addi %add3A, %min3A_101 : i32
      %dma_start3A = arith.constant 0 : i32
      %dma_start3A_103 = arith.constant 0 : i32
      %dma_start3A_104 = tpu.memref_slice %arg4[%dma_start3A, %dma_start3A_103] : memref<8x1024xf32, #tpu.memory_space<hbm>> -> memref<1x1024xf32, #tpu.memory_space<hbm>>
      %dma_start3A_105 = arith.constant 0 : i32
      %dma_start3A_106 = tpu.memref_slice %arg1[%add3A_102, %dma_start3A_105] : memref<32768x1024xf32, #tpu.memory_space<hbm>> -> memref<1x1024xf32, #tpu.memory_space<hbm>>
      tpu.enqueue_dma source(%dma_start3A_106 : memref<1x1024xf32, #tpu.memory_space<hbm>>) target(%dma_start3A_104 : memref<1x1024xf32, #tpu.memory_space<hbm>>) target_semaphore(%arg6 : memref<!tpu.dma_semaphore, #tpu.memory_space<semaphore_mem>>)
    } else {
    }
    %lt3A = arith.constant 0 : i32
    %lt3A_4 = arith.cmpi slt, %get3A_1, %lt3A : i32
    %convert_element_type3A_5 = arith.extui %lt3A_4 : i1 to i32
    %cond3A_6 = arith.constant 0 : i32
    %cond3A_7 = arith.cmpi ne, %convert_element_type3A_5, %cond3A_6 : i32
    scf.if %cond3A_7 {
      %dma_start3A = arith.constant 0 : i32
      %dma_start3A_101 = arith.constant 0 : i32
      %dma_start3A_102 = tpu.memref_slice %arg4[%dma_start3A, %dma_start3A_101] : memref<8x1024xf32, #tpu.memory_space<hbm>> -> memref<1x1024xf32, #tpu.memory_space<hbm>>
      %dma_start3A_103 = arith.constant 0 : i32
      %dma_start3A_104 = arith.constant 0 : i32
      %dma_start3A_105 = tpu.memref_slice %arg3[%dma_start3A_103, %dma_start3A_104] : memref<2x1024xf32, #tpu.memory_space<hbm>> -> memref<1x1024xf32, #tpu.memory_space<hbm>>
      tpu.enqueue_dma source(%dma_start3A_105 : memref<1x1024xf32, #tpu.memory_space<hbm>>) target(%dma_start3A_102 : memref<1x1024xf32, #tpu.memory_space<hbm>>) target_semaphore(%arg6 : memref<!tpu.dma_semaphore, #tpu.memory_space<semaphore_mem>>)
    } else {
    }
    %get3A_8 = arith.constant 1 : i32
    %get3A_9 = arith.index_cast %get3A_8 : i32 to index
    %get3A_10 = memref.load %arg5[%get3A_9] : memref<8xi32, #tpu.memory_space<smem>>
    %ge3A_11 = arith.constant 0 : i32
    %ge3A_12 = arith.cmpi sge, %get3A_10, %ge3A_11 : i32
    %convert_element_type3A_13 = arith.extui %ge3A_12 : i1 to i32
    %cond3A_14 = arith.constant 0 : i32
    %cond3A_15 = arith.cmpi ne, %convert_element_type3A_13, %cond3A_14 : i32
    scf.if %cond3A_15 {
      %min3A = arith.constant 8191 : i32
      %min3A_101 = arith.minsi %get3A_10, %min3A : i32
      %add3A = arith.constant 0 : i32
      %add3A_102 = arith.addi %add3A, %min3A_101 : i32
      %dma_start3A = arith.constant 1 : i32
      %dma_start3A_103 = arith.constant 0 : i32
      %dma_start3A_104 = tpu.memref_slice %arg4[%dma_start3A, %dma_start3A_103] : memref<8x1024xf32, #tpu.memory_space<hbm>> -> memref<1x1024xf32, #tpu.memory_space<hbm>>
      %dma_start3A_105 = arith.constant 0 : i32
      %dma_start3A_106 = tpu.memref_slice %arg1[%add3A_102, %dma_start3A_105] : memref<32768x1024xf32, #tpu.memory_space<hbm>> -> memref<1x1024xf32, #tpu.memory_space<hbm>>
      tpu.enqueue_dma source(%dma_start3A_106 : memref<1x1024xf32, #tpu.memory_space<hbm>>) target(%dma_start3A_104 : memref<1x1024xf32, #tpu.memory_space<hbm>>) target_semaphore(%arg6 : memref<!tpu.dma_semaphore, #tpu.memory_space<semaphore_mem>>)
    } else {
    }
    %lt3A_16 = arith.constant 0 : i32
    %lt3A_17 = arith.cmpi slt, %get3A_10, %lt3A_16 : i32
    %convert_element_type3A_18 = arith.extui %lt3A_17 : i1 to i32
    %cond3A_19 = arith.constant 0 : i32
    %cond3A_20 = arith.cmpi ne, %convert_element_type3A_18, %cond3A_19 : i32
    scf.if %cond3A_20 {
      %dma_start3A = arith.constant 1 : i32
      %dma_start3A_101 = arith.constant 0 : i32
      %dma_start3A_102 = tpu.memref_slice %arg4[%dma_start3A, %dma_start3A_101] : memref<8x1024xf32, #tpu.memory_space<hbm>> -> memref<1x1024xf32, #tpu.memory_space<hbm>>
      %dma_start3A_103 = arith.constant 1 : i32
      %dma_start3A_104 = arith.constant 0 : i32
      %dma_start3A_105 = tpu.memref_slice %arg3[%dma_start3A_103, %dma_start3A_104] : memref<2x1024xf32, #tpu.memory_space<hbm>> -> memref<1x1024xf32, #tpu.memory_space<hbm>>
      tpu.enqueue_dma source(%dma_start3A_105 : memref<1x1024xf32, #tpu.memory_space<hbm>>) target(%dma_start3A_102 : memref<1x1024xf32, #tpu.memory_space<hbm>>) target_semaphore(%arg6 : memref<!tpu.dma_semaphore, #tpu.memory_space<semaphore_mem>>)
    } else {
    }
    %get3A_21 = arith.constant 2 : i32
    %get3A_22 = arith.index_cast %get3A_21 : i32 to index
    %get3A_23 = memref.load %arg5[%get3A_22] : memref<8xi32, #tpu.memory_space<smem>>
    %ge3A_24 = arith.constant 0 : i32
    %ge3A_25 = arith.cmpi sge, %get3A_23, %ge3A_24 : i32
    %convert_element_type3A_26 = arith.extui %ge3A_25 : i1 to i32
    %cond3A_27 = arith.constant 0 : i32
    %cond3A_28 = arith.cmpi ne, %convert_element_type3A_26, %cond3A_27 : i32
    scf.if %cond3A_28 {
      %min3A = arith.constant 8191 : i32
      %min3A_101 = arith.minsi %get3A_23, %min3A : i32
      %add3A = arith.constant 8192 : i32
      %add3A_102 = arith.addi %add3A, %min3A_101 : i32
      %dma_start3A = arith.constant 2 : i32
      %dma_start3A_103 = arith.constant 0 : i32
      %dma_start3A_104 = tpu.memref_slice %arg4[%dma_start3A, %dma_start3A_103] : memref<8x1024xf32, #tpu.memory_space<hbm>> -> memref<1x1024xf32, #tpu.memory_space<hbm>>
      %dma_start3A_105 = arith.constant 0 : i32
      %dma_start3A_106 = tpu.memref_slice %arg1[%add3A_102, %dma_start3A_105] : memref<32768x1024xf32, #tpu.memory_space<hbm>> -> memref<1x1024xf32, #tpu.memory_space<hbm>>
      tpu.enqueue_dma source(%dma_start3A_106 : memref<1x1024xf32, #tpu.memory_space<hbm>>) target(%dma_start3A_104 : memref<1x1024xf32, #tpu.memory_space<hbm>>) target_semaphore(%arg6 : memref<!tpu.dma_semaphore, #tpu.memory_space<semaphore_mem>>)
    } else {
    }
    %lt3A_29 = arith.constant 0 : i32
    %lt3A_30 = arith.cmpi slt, %get3A_23, %lt3A_29 : i32
    %convert_element_type3A_31 = arith.extui %lt3A_30 : i1 to i32
    %cond3A_32 = arith.constant 0 : i32
    %cond3A_33 = arith.cmpi ne, %convert_element_type3A_31, %cond3A_32 : i32
    scf.if %cond3A_33 {
      %dma_start3A = arith.constant 2 : i32
      %dma_start3A_101 = arith.constant 0 : i32
      %dma_start3A_102 = tpu.memref_slice %arg4[%dma_start3A, %dma_start3A_101] : memref<8x1024xf32, #tpu.memory_space<hbm>> -> memref<1x1024xf32, #tpu.memory_space<hbm>>
      %dma_start3A_103 = arith.constant 0 : i32
      %dma_start3A_104 = arith.constant 0 : i32
      %dma_start3A_105 = tpu.memref_slice %arg3[%dma_start3A_103, %dma_start3A_104] : memref<2x1024xf32, #tpu.memory_space<hbm>> -> memref<1x1024xf32, #tpu.memory_space<hbm>>
      tpu.enqueue_dma source(%dma_start3A_105 : memref<1x1024xf32, #tpu.memory_space<hbm>>) target(%dma_start3A_102 : memref<1x1024xf32, #tpu.memory_space<hbm>>) target_semaphore(%arg6 : memref<!tpu.dma_semaphore, #tpu.memory_space<semaphore_mem>>)
    } else {
    }
    %get3A_34 = arith.constant 3 : i32
    %get3A_35 = arith.index_cast %get3A_34 : i32 to index
    %get3A_36 = memref.load %arg5[%get3A_35] : memref<8xi32, #tpu.memory_space<smem>>
    %ge3A_37 = arith.constant 0 : i32
    %ge3A_38 = arith.cmpi sge, %get3A_36, %ge3A_37 : i32
    %convert_element_type3A_39 = arith.extui %ge3A_38 : i1 to i32
    %cond3A_40 = arith.constant 0 : i32
    %cond3A_41 = arith.cmpi ne, %convert_element_type3A_39, %cond3A_40 : i32
    scf.if %cond3A_41 {
      %min3A = arith.constant 8191 : i32
      %min3A_101 = arith.minsi %get3A_36, %min3A : i32
      %add3A = arith.constant 8192 : i32
      %add3A_102 = arith.addi %add3A, %min3A_101 : i32
      %dma_start3A = arith.constant 3 : i32
      %dma_start3A_103 = arith.constant 0 : i32
      %dma_start3A_104 = tpu.memref_slice %arg4[%dma_start3A, %dma_start3A_103] : memref<8x1024xf32, #tpu.memory_space<hbm>> -> memref<1x1024xf32, #tpu.memory_space<hbm>>
      %dma_start3A_105 = arith.constant 0 : i32
      %dma_start3A_106 = tpu.memref_slice %arg1[%add3A_102, %dma_start3A_105] : memref<32768x1024xf32, #tpu.memory_space<hbm>> -> memref<1x1024xf32, #tpu.memory_space<hbm>>
      tpu.enqueue_dma source(%dma_start3A_106 : memref<1x1024xf32, #tpu.memory_space<hbm>>) target(%dma_start3A_104 : memref<1x1024xf32, #tpu.memory_space<hbm>>) target_semaphore(%arg6 : memref<!tpu.dma_semaphore, #tpu.memory_space<semaphore_mem>>)
    } else {
    }
    %lt3A_42 = arith.constant 0 : i32
    %lt3A_43 = arith.cmpi slt, %get3A_36, %lt3A_42 : i32
    %convert_element_type3A_44 = arith.extui %lt3A_43 : i1 to i32
    %cond3A_45 = arith.constant 0 : i32
    %cond3A_46 = arith.cmpi ne, %convert_element_type3A_44, %cond3A_45 : i32
    scf.if %cond3A_46 {
      %dma_start3A = arith.constant 3 : i32
      %dma_start3A_101 = arith.constant 0 : i32
      %dma_start3A_102 = tpu.memref_slice %arg4[%dma_start3A, %dma_start3A_101] : memref<8x1024xf32, #tpu.memory_space<hbm>> -> memref<1x1024xf32, #tpu.memory_space<hbm>>
      %dma_start3A_103 = arith.constant 1 : i32
      %dma_start3A_104 = arith.constant 0 : i32
      %dma_start3A_105 = tpu.memref_slice %arg3[%dma_start3A_103, %dma_start3A_104] : memref<2x1024xf32, #tpu.memory_space<hbm>> -> memref<1x1024xf32, #tpu.memory_space<hbm>>
      tpu.enqueue_dma source(%dma_start3A_105 : memref<1x1024xf32, #tpu.memory_space<hbm>>) target(%dma_start3A_102 : memref<1x1024xf32, #tpu.memory_space<hbm>>) target_semaphore(%arg6 : memref<!tpu.dma_semaphore, #tpu.memory_space<semaphore_mem>>)
    } else {
    }
    %get3A_47 = arith.constant 4 : i32
    %get3A_48 = arith.index_cast %get3A_47 : i32 to index
    %get3A_49 = memref.load %arg5[%get3A_48] : memref<8xi32, #tpu.memory_space<smem>>
    %ge3A_50 = arith.constant 0 : i32
    %ge3A_51 = arith.cmpi sge, %get3A_49, %ge3A_50 : i32
    %convert_element_type3A_52 = arith.extui %ge3A_51 : i1 to i32
    %cond3A_53 = arith.constant 0 : i32
    %cond3A_54 = arith.cmpi ne, %convert_element_type3A_52, %cond3A_53 : i32
    scf.if %cond3A_54 {
      %min3A = arith.constant 8191 : i32
      %min3A_101 = arith.minsi %get3A_49, %min3A : i32
      %add3A = arith.constant 16384 : i32
      %add3A_102 = arith.addi %add3A, %min3A_101 : i32
      %dma_start3A = arith.constant 4 : i32
      %dma_start3A_103 = arith.constant 0 : i32
      %dma_start3A_104 = tpu.memref_slice %arg4[%dma_start3A, %dma_start3A_103] : memref<8x1024xf32, #tpu.memory_space<hbm>> -> memref<1x1024xf32, #tpu.memory_space<hbm>>
      %dma_start3A_105 = arith.constant 0 : i32
      %dma_start3A_106 = tpu.memref_slice %arg1[%add3A_102, %dma_start3A_105] : memref<32768x1024xf32, #tpu.memory_space<hbm>> -> memref<1x1024xf32, #tpu.memory_space<hbm>>
      tpu.enqueue_dma source(%dma_start3A_106 : memref<1x1024xf32, #tpu.memory_space<hbm>>) target(%dma_start3A_104 : memref<1x1024xf32, #tpu.memory_space<hbm>>) target_semaphore(%arg6 : memref<!tpu.dma_semaphore, #tpu.memory_space<semaphore_mem>>)
    } else {
    }
    %lt3A_55 = arith.constant 0 : i32
    %lt3A_56 = arith.cmpi slt, %get3A_49, %lt3A_55 : i32
    %convert_element_type3A_57 = arith.extui %lt3A_56 : i1 to i32
    %cond3A_58 = arith.constant 0 : i32
    %cond3A_59 = arith.cmpi ne, %convert_element_type3A_57, %cond3A_58 : i32
    scf.if %cond3A_59 {
      %dma_start3A = arith.constant 4 : i32
      %dma_start3A_101 = arith.constant 0 : i32
      %dma_start3A_102 = tpu.memref_slice %arg4[%dma_start3A, %dma_start3A_101] : memref<8x1024xf32, #tpu.memory_space<hbm>> -> memref<1x1024xf32, #tpu.memory_space<hbm>>
      %dma_start3A_103 = arith.constant 0 : i32
      %dma_start3A_104 = arith.constant 0 : i32
      %dma_start3A_105 = tpu.memref_slice %arg3[%dma_start3A_103, %dma_start3A_104] : memref<2x1024xf32, #tpu.memory_space<hbm>> -> memref<1x1024xf32, #tpu.memory_space<hbm>>
      tpu.enqueue_dma source(%dma_start3A_105 : memref<1x1024xf32, #tpu.memory_space<hbm>>) target(%dma_start3A_102 : memref<1x1024xf32, #tpu.memory_space<hbm>>) target_semaphore(%arg6 : memref<!tpu.dma_semaphore, #tpu.memory_space<semaphore_mem>>)
    } else {
    }
    %get3A_60 = arith.constant 5 : i32
    %get3A_61 = arith.index_cast %get3A_60 : i32 to index
    %get3A_62 = memref.load %arg5[%get3A_61] : memref<8xi32, #tpu.memory_space<smem>>
    %ge3A_63 = arith.constant 0 : i32
    %ge3A_64 = arith.cmpi sge, %get3A_62, %ge3A_63 : i32
    %convert_element_type3A_65 = arith.extui %ge3A_64 : i1 to i32
    %cond3A_66 = arith.constant 0 : i32
    %cond3A_67 = arith.cmpi ne, %convert_element_type3A_65, %cond3A_66 : i32
    scf.if %cond3A_67 {
      %min3A = arith.constant 8191 : i32
      %min3A_101 = arith.minsi %get3A_62, %min3A : i32
      %add3A = arith.constant 16384 : i32
      %add3A_102 = arith.addi %add3A, %min3A_101 : i32
      %dma_start3A = arith.constant 5 : i32
      %dma_start3A_103 = arith.constant 0 : i32
      %dma_start3A_104 = tpu.memref_slice %arg4[%dma_start3A, %dma_start3A_103] : memref<8x1024xf32, #tpu.memory_space<hbm>> -> memref<1x1024xf32, #tpu.memory_space<hbm>>
      %dma_start3A_105 = arith.constant 0 : i32
      %dma_start3A_106 = tpu.memref_slice %arg1[%add3A_102, %dma_start3A_105] : memref<32768x1024xf32, #tpu.memory_space<hbm>> -> memref<1x1024xf32, #tpu.memory_space<hbm>>
      tpu.enqueue_dma source(%dma_start3A_106 : memref<1x1024xf32, #tpu.memory_space<hbm>>) target(%dma_start3A_104 : memref<1x1024xf32, #tpu.memory_space<hbm>>) target_semaphore(%arg6 : memref<!tpu.dma_semaphore, #tpu.memory_space<semaphore_mem>>)
    } else {
    }
    %lt3A_68 = arith.constant 0 : i32
    %lt3A_69 = arith.cmpi slt, %get3A_62, %lt3A_68 : i32
    %convert_element_type3A_70 = arith.extui %lt3A_69 : i1 to i32
    %cond3A_71 = arith.constant 0 : i32
    %cond3A_72 = arith.cmpi ne, %convert_element_type3A_70, %cond3A_71 : i32
    scf.if %cond3A_72 {
      %dma_start3A = arith.constant 5 : i32
      %dma_start3A_101 = arith.constant 0 : i32
      %dma_start3A_102 = tpu.memref_slice %arg4[%dma_start3A, %dma_start3A_101] : memref<8x1024xf32, #tpu.memory_space<hbm>> -> memref<1x1024xf32, #tpu.memory_space<hbm>>
      %dma_start3A_103 = arith.constant 1 : i32
      %dma_start3A_104 = arith.constant 0 : i32
      %dma_start3A_105 = tpu.memref_slice %arg3[%dma_start3A_103, %dma_start3A_104] : memref<2x1024xf32, #tpu.memory_space<hbm>> -> memref<1x1024xf32, #tpu.memory_space<hbm>>
      tpu.enqueue_dma source(%dma_start3A_105 : memref<1x1024xf32, #tpu.memory_space<hbm>>) target(%dma_start3A_102 : memref<1x1024xf32, #tpu.memory_space<hbm>>) target_semaphore(%arg6 : memref<!tpu.dma_semaphore, #tpu.memory_space<semaphore_mem>>)
    } else {
    }
    %get3A_73 = arith.constant 6 : i32
    %get3A_74 = arith.index_cast %get3A_73 : i32 to index
    %get3A_75 = memref.load %arg5[%get3A_74] : memref<8xi32, #tpu.memory_space<smem>>
    %ge3A_76 = arith.constant 0 : i32
    %ge3A_77 = arith.cmpi sge, %get3A_75, %ge3A_76 : i32
    %convert_element_type3A_78 = arith.extui %ge3A_77 : i1 to i32
    %cond3A_79 = arith.constant 0 : i32
    %cond3A_80 = arith.cmpi ne, %convert_element_type3A_78, %cond3A_79 : i32
    scf.if %cond3A_80 {
      %min3A = arith.constant 8191 : i32
      %min3A_101 = arith.minsi %get3A_75, %min3A : i32
      %add3A = arith.constant 24576 : i32
      %add3A_102 = arith.addi %add3A, %min3A_101 : i32
      %dma_start3A = arith.constant 6 : i32
      %dma_start3A_103 = arith.constant 0 : i32
      %dma_start3A_104 = tpu.memref_slice %arg4[%dma_start3A, %dma_start3A_103] : memref<8x1024xf32, #tpu.memory_space<hbm>> -> memref<1x1024xf32, #tpu.memory_space<hbm>>
      %dma_start3A_105 = arith.constant 0 : i32
      %dma_start3A_106 = tpu.memref_slice %arg1[%add3A_102, %dma_start3A_105] : memref<32768x1024xf32, #tpu.memory_space<hbm>> -> memref<1x1024xf32, #tpu.memory_space<hbm>>
      tpu.enqueue_dma source(%dma_start3A_106 : memref<1x1024xf32, #tpu.memory_space<hbm>>) target(%dma_start3A_104 : memref<1x1024xf32, #tpu.memory_space<hbm>>) target_semaphore(%arg6 : memref<!tpu.dma_semaphore, #tpu.memory_space<semaphore_mem>>)
    } else {
    }
    %lt3A_81 = arith.constant 0 : i32
    %lt3A_82 = arith.cmpi slt, %get3A_75, %lt3A_81 : i32
    %convert_element_type3A_83 = arith.extui %lt3A_82 : i1 to i32
    %cond3A_84 = arith.constant 0 : i32
    %cond3A_85 = arith.cmpi ne, %convert_element_type3A_83, %cond3A_84 : i32
    scf.if %cond3A_85 {
      %dma_start3A = arith.constant 6 : i32
      %dma_start3A_101 = arith.constant 0 : i32
      %dma_start3A_102 = tpu.memref_slice %arg4[%dma_start3A, %dma_start3A_101] : memref<8x1024xf32, #tpu.memory_space<hbm>> -> memref<1x1024xf32, #tpu.memory_space<hbm>>
      %dma_start3A_103 = arith.constant 0 : i32
      %dma_start3A_104 = arith.constant 0 : i32
      %dma_start3A_105 = tpu.memref_slice %arg3[%dma_start3A_103, %dma_start3A_104] : memref<2x1024xf32, #tpu.memory_space<hbm>> -> memref<1x1024xf32, #tpu.memory_space<hbm>>
      tpu.enqueue_dma source(%dma_start3A_105 : memref<1x1024xf32, #tpu.memory_space<hbm>>) target(%dma_start3A_102 : memref<1x1024xf32, #tpu.memory_space<hbm>>) target_semaphore(%arg6 : memref<!tpu.dma_semaphore, #tpu.memory_space<semaphore_mem>>)
    } else {
    }
    %get3A_86 = arith.constant 7 : i32
    %get3A_87 = arith.index_cast %get3A_86 : i32 to index
    %get3A_88 = memref.load %arg5[%get3A_87] : memref<8xi32, #tpu.memory_space<smem>>
    %ge3A_89 = arith.constant 0 : i32
    %ge3A_90 = arith.cmpi sge, %get3A_88, %ge3A_89 : i32
    %convert_element_type3A_91 = arith.extui %ge3A_90 : i1 to i32
    %cond3A_92 = arith.constant 0 : i32
    %cond3A_93 = arith.cmpi ne, %convert_element_type3A_91, %cond3A_92 : i32
    scf.if %cond3A_93 {
      %min3A = arith.constant 8191 : i32
      %min3A_101 = arith.minsi %get3A_88, %min3A : i32
      %add3A = arith.constant 24576 : i32
      %add3A_102 = arith.addi %add3A, %min3A_101 : i32
      %dma_start3A = arith.constant 7 : i32
      %dma_start3A_103 = arith.constant 0 : i32
      %dma_start3A_104 = tpu.memref_slice %arg4[%dma_start3A, %dma_start3A_103] : memref<8x1024xf32, #tpu.memory_space<hbm>> -> memref<1x1024xf32, #tpu.memory_space<hbm>>
      %dma_start3A_105 = arith.constant 0 : i32
      %dma_start3A_106 = tpu.memref_slice %arg1[%add3A_102, %dma_start3A_105] : memref<32768x1024xf32, #tpu.memory_space<hbm>> -> memref<1x1024xf32, #tpu.memory_space<hbm>>
      tpu.enqueue_dma source(%dma_start3A_106 : memref<1x1024xf32, #tpu.memory_space<hbm>>) target(%dma_start3A_104 : memref<1x1024xf32, #tpu.memory_space<hbm>>) target_semaphore(%arg6 : memref<!tpu.dma_semaphore, #tpu.memory_space<semaphore_mem>>)
    } else {
    }
    %lt3A_94 = arith.constant 0 : i32
    %lt3A_95 = arith.cmpi slt, %get3A_88, %lt3A_94 : i32
    %convert_element_type3A_96 = arith.extui %lt3A_95 : i1 to i32
    %cond3A_97 = arith.constant 0 : i32
    %cond3A_98 = arith.cmpi ne, %convert_element_type3A_96, %cond3A_97 : i32
    scf.if %cond3A_98 {
      %dma_start3A = arith.constant 7 : i32
      %dma_start3A_101 = arith.constant 0 : i32
      %dma_start3A_102 = tpu.memref_slice %arg4[%dma_start3A, %dma_start3A_101] : memref<8x1024xf32, #tpu.memory_space<hbm>> -> memref<1x1024xf32, #tpu.memory_space<hbm>>
      %dma_start3A_103 = arith.constant 1 : i32
      %dma_start3A_104 = arith.constant 0 : i32
      %dma_start3A_105 = tpu.memref_slice %arg3[%dma_start3A_103, %dma_start3A_104] : memref<2x1024xf32, #tpu.memory_space<hbm>> -> memref<1x1024xf32, #tpu.memory_space<hbm>>
      tpu.enqueue_dma source(%dma_start3A_105 : memref<1x1024xf32, #tpu.memory_space<hbm>>) target(%dma_start3A_102 : memref<1x1024xf32, #tpu.memory_space<hbm>>) target_semaphore(%arg6 : memref<!tpu.dma_semaphore, #tpu.memory_space<semaphore_mem>>)
    } else {
    }
    %dma_wait3A = arith.constant 0 : i32
    %dma_wait3A_99 = arith.constant 0 : i32
    %dma_wait3A_100 = tpu.memref_slice %arg1[%dma_wait3A, %dma_wait3A_99] : memref<32768x1024xf32, #tpu.memory_space<hbm>> -> memref<8x1024xf32, #tpu.memory_space<hbm>>
    tpu.wait_dma2 semaphore(%arg6 : memref<!tpu.dma_semaphore, #tpu.memory_space<semaphore_mem>>) src(%dma_wait3A_100 : memref<8x1024xf32, #tpu.memory_space<hbm>>) dst(%arg4 : memref<8x1024xf32, #tpu.memory_space<hbm>>)
    return
  }
}

</mosaic_0001>

<sc_bundles>
// kernel: kernel.3.cloned.1.call-start
scs
__scs_entry_jumppad:
0x0: {  	(pc) =	sbr.rel $0x88, $3  }
0x1: {  	(tag) =	ssettag $0x0;
	lr =	simm.s32 $0x1  }
0x2: {  	[smem:$0x3F9E] =	sst lr;
	_ =	strace $0xD0000000  }
0x3: {  	_ = 	snop  }
0x4: {  	_ = 	snop  }
0x5: {  	_ = 	snop  }
0x6: {  	_ = 	snop  }
0x7: {  	_ = 	snop  }
__scs_overlays_trampoline_lowered:
0x8: {  	[smem:$0x3FAD] =	sst s0  }
0x9: {  	[smem:$0x3FAE] =	sst s1  }
0xa: {  	[smem:$0x3FAF] =	sst s2  }
0xb: {  	[smem:$0x3FB0] =	sst s3  }
0xc: {  	[smem:$0x3FB1] =	sst s4  }
0xd: {  	[smem:$0x3FB2] =	sst s5  }
0xe: {  	[smem:$0x3FB3] =	sst s6  }
0xf: {  	[smem:$0x3FB4] =	sst s7  }
0x10: {  	[smem:$0x3FB5] =	sst s8  }
0x11: {  	[smem:$0x3FB6] =	sst s9;
	s0 =	simm.s32 @!p0 $0x0  }
0x12: {  	s1 =	sld [smem:$0x3F9C];
	s0 =	simm.s32 @p0 $0x1  }
0x13: {  	[smem:$0x3FB7] =	sst s0;
	s0 =	simm.s32 @!p1 $0x0  }
0x14: {  	s2 =	sld [smem:$0x3F9B];
	s0 =	simm.s32 @p1 $0x1  }
0x15: {  	[smem:$0x3FB8] =	sst s0;
	s0 =	simm.s32 @!p2 $0x0  }
0x16: {  	s3 =	sld [smem:$0x3FDB];
	s0 =	simm.s32 @p2 $0x1  }
0x17: {  	s4 =	simm.s32 $0x1BF5;
	[smem:$0x3FBA] =	sst s0  }
0x18: {  	s0 =	sld [smem:$0x3F9D];
	_ =	swait.ge [sflag:s4], $0x0  }
0x19: {  	s7 =	sld [smem:$0x3F9E]  }
0x1a: {  	s8 =	sadd.s32 $0xFFFFE003, lr  }
0x1b: {  	s9 =	sadd.s32 $0xFFFFFEF7, lr;
	s5 =	simm.s32 $0xFFFFFFFF;
	p2 =	slt.u32 s8, $0xFFFFF086  }
0x1c: {  	p1 =	slt.u32 s9, $0xF7A;
	s5 =	simm.s32 @!p2 $0x0  }
0x1d: {  	s5 =	simm.s32 @p1 $0x1;
	p0 =	seq.s32 s7, s2  }
0x1e: {  	s7 =	smul.u32 @!p0 $0xF7A, s2;
	p2 =	seq.s32 @!p0 s5, $0x0  }
0x1f: {  	s9 =	smul.u32 $0xF7A, s1;
	s8 =	simm.s32 @!p0 $0x1BF5;
	p2 =	por !p2, p0  }
0x20: {  	[sflag:s8] =	ssyncset.s32 @!p0 $0xFFFFF086;
	s6 =	sadd.s32 @!p0 s3, s7;
	s7 =	simm.s32 @!p0 $0x108  }
0x21: {  	s3 =	sadd.s32 s3, s9;
	s6 =	sadd.s32 @!p0 $0x88, s6;
	s7 =	simm.s32 @p2 $0x1082  }
0x22: {  	[simem:s7], [sflag:s8] =	dma.local @!p0 [hbm:s6], $0xF7A  }
0x23: {  	s9 =	sor.u32 $0xD0000000, s2;
	s6 =	simm.s32 $0x108;
	_ =	swait.ge @!p0 [sflag:s8], $0x0  }
0x24: {  	s3 =	sadd.s32 $0x88, s3;
	s6 =	simm.s32 @!p1 $0x1082;
	[sflag:s4] =	ssyncset.s32 $0xFFFFF086  }
0x25: {  	[simem:s6], [sflag:s4] =	dma.local [hbm:s3], $0xF7A  }
0x26: {  	[smem:$0x3F9E] =	sst s1;
	(tag) =	ssettag s2;
	_ =	strace s9  }
0x27: {  	s1 =	sld [smem:$0x3FAE]  }
0x28: {  	s2 =	sld [smem:$0x3FAF]  }
0x29: {  	s4 =	sld [smem:$0x3FB1]  }
0x2a: {  	p0 =	seq.s32 s5, $0x0;
	s5 =	sld [smem:$0x3FB2]  }
0x2b: {  	s6 =	sld [smem:$0x3FB3]  }
0x2c: {  	s7 =	sld [smem:$0x3FB4]  }
0x2d: {  	s3 =	simm.s32 $0x108;
	s8 =	sld [smem:$0x3FB5]  }
0x2e: {  	s3 =	simm.s32 @!p0 $0x1082;
	s9 =	sld [smem:$0x3FB6]  }
0x2f: {  	lr =	sadd.s32 s0, s3;
	s0 =	sld [smem:$0x3FAD]  }
0x30: {  	s3 =	sld [smem:$0x3FB0]  }
0x31: {  	[smem:$0x3FB9] =	sst s10  }
0x32: {  	s10 =	sld [smem:$0x3FB7];
	_ =	sdelay $0x3  }
0x33: {  	p0 =	seq.s32 s10, $0x1;
	s10 =	sld [smem:$0x3FB9];
	_ =	sdelay $0x3  }
0x34: {  	[smem:$0x3FB9] =	sst s10  }
0x35: {  	s10 =	sld [smem:$0x3FB8];
	_ =	sdelay $0x3  }
0x36: {  	p1 =	seq.s32 s10, $0x1;
	s10 =	sld [smem:$0x3FB9];
	_ =	sdelay $0x3  }
0x37: {  	[smem:$0x3FB9] =	sst s10  }
0x38: {  	s10 =	sld [smem:$0x3FBA]  }
0x39: {  	_ = 	snop;
	(pc) =	sbr.ind lr, $3  }
0x3a: {  	_ = 	snop  }
0x3b: {  	_ = 	snop  }
0x3c: {  	p2 =	seq.s32 s10, $0x1;
	s10 =	sld [smem:$0x3FB9]  }
0x3d: {  	_ =	shalt  }
0x3e: {  	_ =	shalt  }
0x3f: {  	_ =	shalt  }
0x40: {  	_ =	shalt  }
0x41: {  	_ =	shalt  }
0x42: {  	_ =	shalt  }
0x43: {  	_ =	shalt  }
0x44: {  	_ =	shalt  }
0x45: {  	_ =	shalt  }
0x46: {  	_ =	shalt  }
0x47: {  	_ =	shalt  }
0x48: {  	_ =	shalt  }
0x49: {  	_ =	shalt  }
0x4a: {  	_ =	shalt  }
0x4b: {  	_ =	shalt  }
0x4c: {  	_ =	shalt  }
0x4d: {  	_ =	shalt  }
0x4e: {  	_ =	shalt  }
0x4f: {  	_ =	shalt  }
0x50: {  	_ =	shalt  }
0x51: {  	_ =	shalt  }
0x52: {  	_ =	shalt  }
0x53: {  	_ =	shalt  }
0x54: {  	_ =	shalt  }
0x55: {  	_ =	shalt  }
0x56: {  	_ =	shalt  }
0x57: {  	_ =	shalt  }
0x58: {  	_ =	shalt  }
0x59: {  	_ =	shalt  }
0x5a: {  	_ =	shalt  }
0x5b: {  	_ =	shalt  }
0x5c: {  	_ =	shalt  }
0x5d: {  	_ =	shalt  }
0x5e: {  	_ =	shalt  }
0x5f: {  	_ =	shalt  }
0x60: {  	_ =	shalt  }
0x61: {  	_ =	shalt  }
0x62: {  	_ =	shalt  }
0x63: {  	_ =	shalt  }
0x64: {  	_ =	shalt  }
0x65: {  	_ =	shalt  }
0x66: {  	_ =	shalt  }
0x67: {  	_ =	shalt  }
0x68: {  	_ =	shalt  }
0x69: {  	_ =	shalt  }
0x6a: {  	_ =	shalt  }
0x6b: {  	_ =	shalt  }
0x6c: {  	_ =	shalt  }
0x6d: {  	_ =	shalt  }
0x6e: {  	_ =	shalt  }
0x6f: {  	_ =	shalt  }
0x70: {  	_ =	shalt  }
0x71: {  	_ =	shalt  }
0x72: {  	_ =	shalt  }
0x73: {  	_ =	shalt  }
0x74: {  	_ =	shalt  }
0x75: {  	_ =	shalt  }
0x76: {  	_ =	shalt  }
0x77: {  	_ =	shalt  }
0x78: {  	_ =	shalt  }
0x79: {  	_ =	shalt  }
0x7a: {  	_ =	shalt  }
0x7b: {  	_ =	shalt  }
0x7c: {  	_ =	shalt  }
0x7d: {  	_ =	shalt  }
0x7e: {  	_ =	shalt  }
0x7f: {  	_ =	shalt  }
0x80: {  	_ =	shalt  }
0x81: {  	_ =	shalt  }
0x82: {  	_ =	shalt  }
0x83: {  	_ =	shalt  }
0x84: {  	_ =	shalt  }
0x85: {  	_ =	shalt  }
0x86: {  	_ =	shalt  }
0x87: {  	_ =	shalt  }
.Lfunc_end0:
.L_simem_size_0:
called_computation_lowered:
.L_overlay_start_0:
0x88: {  	s0 =	sld [smem:$0x3FD9]  }
0x89: {  	s1 =	sld [smem:$0x3FFE];
	_ =	sdelay $0x3  }
0x8a: {  	s0 =	sadd.s32 s1, s0  }
0x8b: {  	s3 =	simm.s32 $0x0;
	[smem:$0x3FC5] =	sst s0  }
0x8c: {  	[smem:$0xF] =	sst s3  }
0x8d: {  	s0 =	sld [smem:$0x3FC9]  }
0x8e: {  	s1 =	sld [smem:$0x3FC7]  }
0x8f: {  	s2 =	sld [smem:$0x3FD0];
	(tm) =	ssettm $0x1  }
0x90: {  	s22 =	sld [smem:$0x3FFB];
	_ =	sdelay $0x3  }
0x91: {  	_ =	strace s22  }
0x92: {  	s3 =	sld [smem:$0x3FFC];
	_ =	sdelay $0x3  }
0x93: {  	_ =	strace s3  }
0x94: {  	s3 =	sld [smem:$0x3FFD];
	_ =	sdelay $0x3  }
0x95: {  	_ =	strace s3  }
0x96: {  	s23 =	simm.s32 $0x1B8B;
	_ =	strace $0x8FFFFFFF  }
0x97: {  	_ =	swait.ge [sflag:s23], $0x1  }
0x98: {  	[sflag:s23] =	ssyncset.done $0x0  }
0x99: {  	s4 =	simm.s32 $0x1B8E;
	[sflag:s23] =	ssyncadd.s32 $0xFFFFFFFF  }
0x9a: {  	s25 =	simm.s32 $0xA;
	[smem:$0x3FD2] =	sst s4  }
0x9b: {  	s5 =	simm.s32 $0x10;
	s24 =	sld [smem:$0x3FFE];
	_ =	strace $0x80000046  }
0x9c: {  	[smem:s5], [sflag:s25] =	dma.local [hbm:s2], $0x10  }
0x9d: {  	_ =	swait.ge [sflag:s25], $0x10  }
0x9e: {  	[sflag:s25] =	ssyncset.done $0x0  }
0x9f: {  	[sflag:s25] =	ssyncadd.s32 $0xFFFFFFF0  }
0xa0: {  	s4 =	sld [smem:$0x10];
	_ =	sdelay $0x3  }
0xa1: {  	p0 =	slt.s32 s4, $0x0  }
0xa2: {  	s2 =	sadd.s32 $0x400, s24;
	s3 =	simm.s32 @p0 $0x1  }
0xa3: {  	s5 =	simm.s32 @p0 $0x80;
	s6 =	simm.s32 @p0 $0x20;
	s7 =	simm.s32 @p0 $0x9  }
0xa4: {  	[hbm:s2@s5], [sflag:s7] =	dma.strided @p0 [hbm:s1@s6], $0x80, s3, $0x10   }
0xa5: {  	s3 =	smin.u32 @!p0 s4, $0x1FFF  }
0xa6: {  	s4 =	sshll.u32 @!p0 s3, $0x4  }
0xa7: {  	s3 =	sshll.u32 @!p0 s3, $0x7;
	s4 =	sand.u32 @!p0 $0x70, s4  }
0xa8: {  	s5 =	simm.s32 @!p0 $0x80;
	s3 =	sand.u32 @!p0 $0xFFC00, s3;
	s4 =	sadd.s32 @!p0 s0, s4  }
0xa9: {  	s6 =	simm.s32 @!p0 $0x9;
	s3 =	sadd.s32 @!p0 s3, s4;
	s4 =	simm.s32 @!p0 $0x1  }
0xaa: {  	[hbm:s2@s5], [sflag:s6] =	dma.strided @!p0 [hbm:s3@s5], $0x80, s4, $0x10   }
0xab: {  	s3 =	sld [smem:$0x11];
	_ =	sdelay $0x3  }
0xac: {  	p0 =	slt.s32 s3, $0x0  }
0xad: {  	s4 =	sadd.s32 @p0 $0x10, s1  }
0xae: {  	s5 =	sadd.s32 @p0 $0x10, s2;
	s6 =	simm.s32 @p0 $0x1;
	s7 =	simm.s32 @p0 $0x80  }
0xaf: {  	s8 =	simm.s32 @p0 $0x20;
	s9 =	simm.s32 @p0 $0x9;
	s3 =	smin.u32 @!p0 s3, $0x1FFF  }
0xb0: {  	[hbm:s5@s7], [sflag:s9] =	dma.strided @p0 [hbm:s4@s8], $0x80, s6, $0x10   }
0xb1: {  	s4 =	sshll.u32 @!p0 s3, $0x4  }
0xb2: {  	s3 =	sshll.u32 @!p0 s3, $0x7;
	s5 =	simm.s32 @!p0 $0x1;
	s4 =	sand.u32 @!p0 $0x70, s4  }
0xb3: {  	s6 =	simm.s32 @!p0 $0x80;
	s3 =	sand.u32 @!p0 $0xFFC00, s3;
	s4 =	sadd.s32 @!p0 s0, s4  }
0xb4: {  	s7 =	simm.s32 @!p0 $0x9;
	s3 =	sadd.s32 @!p0 s3, s4;
	s4 =	sadd.s32 @!p0 $0x10, s2  }
0xb5: {  	[hbm:s4@s6], [sflag:s7] =	dma.strided @!p0 [hbm:s3@s6], $0x80, s5, $0x10   }
0xb6: {  	s3 =	sld [smem:$0x12];
	_ =	sdelay $0x3  }
0xb7: {  	p0 =	slt.s32 s3, $0x0  }
0xb8: {  	s4 =	sadd.s32 @p0 $0x20, s2;
	s5 =	simm.s32 @p0 $0x1;
	s6 =	simm.s32 @p0 $0x80  }
0xb9: {  	s7 =	simm.s32 @p0 $0x20;
	s8 =	simm.s32 @p0 $0x9;
	s3 =	smin.u32 @!p0 s3, $0x1FFF  }
0xba: {  	[hbm:s4@s6], [sflag:s8] =	dma.strided @p0 [hbm:s1@s7], $0x80, s5, $0x10   }
0xbb: {  	s4 =	sshll.u32 @!p0 s3, $0x7;
	s3 =	sshll.u32 @!p0 s3, $0x4  }
0xbc: {  	s4 =	sand.u32 @!p0 $0xFFC00, s4;
	s3 =	sand.u32 @!p0 $0x70, s3  }
0xbd: {  	s3 =	sor.u32 @!p0 s3, s4  }
0xbe: {  	s5 =	simm.s32 @!p0 $0x1;
	s6 =	simm.s32 @!p0 $0x80;
	s3 =	sadd.s32 @!p0 s3, s0  }
0xbf: {  	s7 =	simm.s32 @!p0 $0x9;
	s4 =	sadd.s32 @!p0 $0x20, s2;
	s3 =	sadd.s32 @!p0 $0x100000, s3  }
0xc0: {  	[hbm:s4@s6], [sflag:s7] =	dma.strided @!p0 [hbm:s3@s6], $0x80, s5, $0x10   }
0xc1: {  	s3 =	sld [smem:$0x13];
	_ =	sdelay $0x3  }
0xc2: {  	p0 =	slt.s32 s3, $0x0  }
0xc3: {  	s4 =	sadd.s32 @p0 $0x10, s1  }
0xc4: {  	s5 =	sadd.s32 @p0 $0x30, s2;
	s6 =	simm.s32 @p0 $0x1;
	s7 =	simm.s32 @p0 $0x80  }
0xc5: {  	s8 =	simm.s32 @p0 $0x20;
	s9 =	simm.s32 @p0 $0x9;
	s3 =	smin.u32 @!p0 s3, $0x1FFF  }
0xc6: {  	[hbm:s5@s7], [sflag:s9] =	dma.strided @p0 [hbm:s4@s8], $0x80, s6, $0x10   }
0xc7: {  	s4 =	sshll.u32 @!p0 s3, $0x7;
	s3 =	sshll.u32 @!p0 s3, $0x4  }
0xc8: {  	s4 =	sand.u32 @!p0 $0xFFC00, s4;
	s3 =	sand.u32 @!p0 $0x70, s3  }
0xc9: {  	s3 =	sor.u32 @!p0 s3, s4  }
0xca: {  	s5 =	simm.s32 @!p0 $0x1;
	s6 =	simm.s32 @!p0 $0x80;
	s3 =	sadd.s32 @!p0 s3, s0  }
0xcb: {  	s7 =	simm.s32 @!p0 $0x9;
	s4 =	sadd.s32 @!p0 $0x30, s2;
	s3 =	sadd.s32 @!p0 $0x100000, s3  }
0xcc: {  	[hbm:s4@s6], [sflag:s7] =	dma.strided @!p0 [hbm:s3@s6], $0x80, s5, $0x10   }
0xcd: {  	s3 =	sld [smem:$0x14];
	_ =	sdelay $0x3  }
0xce: {  	p0 =	slt.s32 s3, $0x0  }
0xcf: {  	s4 =	sadd.s32 @p0 $0x40, s2;
	s5 =	simm.s32 @p0 $0x1;
	s6 =	simm.s32 @p0 $0x80  }
0xd0: {  	s7 =	simm.s32 @p0 $0x20;
	s8 =	simm.s32 @p0 $0x9;
	s3 =	smin.u32 @!p0 s3, $0x1FFF  }
0xd1: {  	[hbm:s4@s6], [sflag:s8] =	dma.strided @p0 [hbm:s1@s7], $0x80, s5, $0x10   }
0xd2: {  	s4 =	sshll.u32 @!p0 s3, $0x7;
	s3 =	sshll.u32 @!p0 s3, $0x4  }
0xd3: {  	s4 =	sand.u32 @!p0 $0xFFC00, s4;
	s3 =	sand.u32 @!p0 $0x70, s3  }
0xd4: {  	s3 =	sor.u32 @!p0 s3, s4  }
0xd5: {  	s5 =	simm.s32 @!p0 $0x1;
	s6 =	simm.s32 @!p0 $0x80;
	s3 =	sadd.s32 @!p0 s3, s0  }
0xd6: {  	s7 =	simm.s32 @!p0 $0x9;
	s4 =	sadd.s32 @!p0 $0x40, s2;
	s3 =	sadd.s32 @!p0 $0x200000, s3  }
0xd7: {  	[hbm:s4@s6], [sflag:s7] =	dma.strided @!p0 [hbm:s3@s6], $0x80, s5, $0x10   }
0xd8: {  	s3 =	sld [smem:$0x15];
	_ =	sdelay $0x3  }
0xd9: {  	p0 =	slt.s32 s3, $0x0  }
0xda: {  	s4 =	sadd.s32 @p0 $0x10, s1  }
0xdb: {  	s5 =	sadd.s32 @p0 $0x50, s2;
	s6 =	simm.s32 @p0 $0x1;
	s7 =	simm.s32 @p0 $0x80  }
0xdc: {  	s8 =	simm.s32 @p0 $0x20;
	s9 =	simm.s32 @p0 $0x9;
	s3 =	smin.u32 @!p0 s3, $0x1FFF  }
0xdd: {  	[hbm:s5@s7], [sflag:s9] =	dma.strided @p0 [hbm:s4@s8], $0x80, s6, $0x10   }
0xde: {  	s4 =	sshll.u32 @!p0 s3, $0x7;
	s3 =	sshll.u32 @!p0 s3, $0x4  }
0xdf: {  	s4 =	sand.u32 @!p0 $0xFFC00, s4;
	s3 =	sand.u32 @!p0 $0x70, s3  }
0xe0: {  	s3 =	sor.u32 @!p0 s3, s4  }
0xe1: {  	s5 =	simm.s32 @!p0 $0x1;
	s6 =	simm.s32 @!p0 $0x80;
	s3 =	sadd.s32 @!p0 s3, s0  }
0xe2: {  	s7 =	simm.s32 @!p0 $0x9;
	s4 =	sadd.s32 @!p0 $0x50, s2;
	s3 =	sadd.s32 @!p0 $0x200000, s3  }
0xe3: {  	[hbm:s4@s6], [sflag:s7] =	dma.strided @!p0 [hbm:s3@s6], $0x80, s5, $0x10   }
0xe4: {  	s3 =	sld [smem:$0x16];
	_ =	sdelay $0x3  }
0xe5: {  	p0 =	slt.s32 s3, $0x0  }
0xe6: {  	s4 =	sadd.s32 @p0 $0x60, s2;
	s5 =	simm.s32 @p0 $0x1;
	s6 =	simm.s32 @p0 $0x80  }
0xe7: {  	s7 =	simm.s32 @p0 $0x20;
	s8 =	simm.s32 @p0 $0x9;
	s3 =	smin.u32 @!p0 s3, $0x1FFF  }
0xe8: {  	[hbm:s4@s6], [sflag:s8] =	dma.strided @p0 [hbm:s1@s7], $0x80, s5, $0x10   }
0xe9: {  	s4 =	sshll.u32 @!p0 s3, $0x7;
	s3 =	sshll.u32 @!p0 s3, $0x4  }
0xea: {  	s4 =	sand.u32 @!p0 $0xFFC00, s4;
	s3 =	sand.u32 @!p0 $0x70, s3  }
0xeb: {  	s3 =	sor.u32 @!p0 s3, s4  }
0xec: {  	s5 =	simm.s32 @!p0 $0x1;
	s6 =	simm.s32 @!p0 $0x80;
	s3 =	sadd.s32 @!p0 s3, s0  }
0xed: {  	s7 =	simm.s32 @!p0 $0x9;
	s4 =	sadd.s32 @!p0 $0x60, s2;
	s3 =	sadd.s32 @!p0 $0x300000, s3  }
0xee: {  	[hbm:s4@s6], [sflag:s7] =	dma.strided @!p0 [hbm:s3@s6], $0x80, s5, $0x10   }
0xef: {  	s3 =	sld [smem:$0x17];
	_ =	sdelay $0x3  }
0xf0: {  	p0 =	slt.s32 s3, $0x0  }
0xf1: {  	s1 =	sadd.s32 @p0 $0x10, s1;
	s4 =	sadd.s32 @p0 $0x70, s2;
	s5 =	simm.s32 @p0 $0x1  }
0xf2: {  	s6 =	simm.s32 @p0 $0x80;
	s7 =	simm.s32 @p0 $0x20;
	s8 =	simm.s32 @p0 $0x9  }
0xf3: {  	[hbm:s4@s6], [sflag:s8] =	dma.strided @p0 [hbm:s1@s7], $0x80, s5, $0x10   }
0xf4: {  	s1 =	smin.u32 @!p0 s3, $0x1FFF  }
0xf5: {  	s3 =	sshll.u32 @!p0 s1, $0x7;
	s1 =	sshll.u32 @!p0 s1, $0x4  }
0xf6: {  	s3 =	sand.u32 @!p0 $0xFFC00, s3;
	s1 =	sand.u32 @!p0 $0x70, s1  }
0xf7: {  	s26 =	simm.s32 $0x9;
	s1 =	sor.u32 @!p0 s1, s3  }
0xf8: {  	s4 =	simm.s32 @!p0 $0x9;
	s3 =	simm.s32 @!p0 $0x80;
	s0 =	sadd.s32 @!p0 s1, s0  }
0xf9: {  	s1 =	sadd.s32 @!p0 $0x70, s2;
	s2 =	simm.s32 @!p0 $0x1;
	s0 =	sadd.s32 @!p0 $0x300000, s0  }
0xfa: {  	[hbm:s1@s3], [sflag:s4] =	dma.strided @!p0 [hbm:s0@s3], $0x80, s2, $0x10   }
0xfb: {  	_ =	swait.ge [sflag:s26], $0x400  }
0xfc: {  	[sflag:s26] =	ssyncset.done $0x0  }
0xfd: {  	[sflag:s26] =	ssyncadd.s32 $0xFFFFFC00  }
0xfe: {  	_ =	strace $0x90000046  }
0xff: {  	_ =	sfence  }
0x100: {  	s28 =	sld [smem:$0x0];
	_ =	sdelay $0x1  }
0x101: {  	s29 =	srdreg.scid  }
0x102: {  	s30 =	sshll.u32 s29, $0xD;
	s31 =	sshrl.u32 s29, $0x2  }
0x103: {  	s1 =	sand.u32 $0x1, s29;
	s2 =	sand.u32 $0x4000, s30;
	s0 =	sadd.s32 s31, s28  }
0x104: {  	s1 =	sor.u32 s2, s1;
	s0 =	sshll.u32 s0, $0x11  }
0x105: {  	s0 =	sor.u32 s0, s1  }
0x106: {  	s0 =	sadd.s32 $0x8F2B, s0;
	(pc) =	sbr.abs _section_cstart, $3  }
0x107: {  	[sflag:s0] =	ssyncadd.remote.s32 $0x1  }
0x108: {  	_ =	strace $0x9FFFFFFF  }
0x109: {  	(tm) =	ssettm $0x7FFFFFFF  }

</sc_bundles>
